<compile_context>
chip_gen: v7x
topology: tpu7x:2x2x1
jax: 0.10.2.dev20260603
libtpu: 0.0.44.dev20260713+nightly
codegen_flags: <defaults>
</compile_context>

<pallas_src>
import functools

import jax
import jax.numpy as jnp
from jax import lax
from jax.experimental import pallas as pl
from jax.experimental.pallas import tpu as pltpu
from jax.experimental.pallas import tpu_sc as plsc

_BLK = 1000
_BIAS = 131072
_FMAX = 262143

_N = 100000
_NW = 32
_C = 3136
_NPAD = _NW * _C
_G = 56
_SUBS = _C // _G
_NROWS = _NPAD // _G
_NOUT = 100096
_TRASH = _NOUT - 1
_SLOT0 = _NOUT
_EXT = _NOUT + 2 * _NW


def _tower_body(f_ref, w1_ref, w2_ref, w3_ref, b3_ref, off_ref):
    f = f_ref[...]
    h = jnp.maximum(jnp.dot(f, w1_ref[...], preferred_element_type=jnp.float32), 0.0)
    h = jnp.maximum(jnp.dot(h, w2_ref[...], preferred_element_type=jnp.float32), 0.0)
    off_ref[...] = (
        jnp.dot(h, w3_ref[...], preferred_element_type=jnp.float32) + b3_ref[0:1, :]
    )


def _tower(feats_F, W1, W2, W3, b3):
    n = feats_F.shape[0]
    w3p = jnp.zeros((W3.shape[0], 128), jnp.float32).at[:, :3].set(W3)
    b3p = jnp.zeros((8, 128), jnp.float32).at[0, :3].set(b3)
    offp = pl.pallas_call(
        _tower_body,
        grid=(n // _BLK,),
        in_specs=[
            pl.BlockSpec((_BLK, 128), lambda i: (i, 0)),
            pl.BlockSpec((128, 64), lambda i: (0, 0)),
            pl.BlockSpec((64, 32), lambda i: (0, 0)),
            pl.BlockSpec((32, 128), lambda i: (0, 0)),
            pl.BlockSpec((8, 128), lambda i: (0, 0)),
        ],
        out_specs=pl.BlockSpec((_BLK, 128), lambda i: (i, 0)),
        out_shape=jax.ShapeDtypeStruct((n, 128), jnp.float32),
    )(feats_F, W1, W2, w3p, b3p)
    return offp


def _sc_body(
    feats,
    gidx2d,
    idx2d,
    dst2d,
    uid2d,
    keep16,
    scale16,
    score2d,
    out_ext,
    inv_ext,
    sco_ext,
    gidx_v,
    idx_v,
    dst_v,
    uid_v,
    sco_v,
    rows_v,
    keep_v,
    scale_v,
    sem,
    sem2,
):
    c = lax.axis_index("c")
    s = lax.axis_index("s")
    wid = s * 2 + c
    base = wid * _SUBS
    pltpu.sync_copy(gidx2d.at[pl.ds(base, _SUBS)], gidx_v)
    pltpu.sync_copy(idx2d.at[pl.ds(base, _SUBS)], idx_v)
    pltpu.sync_copy(dst2d.at[pl.ds(base, _SUBS)], dst_v)
    pltpu.sync_copy(uid2d.at[pl.ds(base, _SUBS)], uid_v)
    pltpu.sync_copy(score2d.at[pl.ds(base, _SUBS)], sco_v)

    def outer(j, acc):
        gth = pltpu.async_copy(feats.at[gidx_v.at[j]], rows_v, sem2)
        off = (wid * _C + j * _G) * 16
        pltpu.sync_copy(keep16.at[pl.ds(off, _G * 16)], keep_v)
        pltpu.sync_copy(scale16.at[pl.ds(off, _G * 16)], scale_v)
        gth.wait()

        def inner(i, a):
            k = keep_v[pl.ds(i * 16, 16)]
            sc = scale_v[pl.ds(i * 16, 16)]
            out = []
            for g in range(8):
                v = rows_v[i, pl.ds(g * 16, 16)]
                nv = a[g] * k + v * sc
                rows_v[i, pl.ds(g * 16, 16)] = nv
                out.append(nv)
            return tuple(out)

        acc = lax.fori_loop(0, _G, inner, acc)
        d1 = pltpu.async_copy(rows_v, out_ext.at[dst_v.at[j]], sem)
        d2 = pltpu.async_copy(uid_v.at[j], inv_ext.at[idx_v.at[j]], sem)
        d3 = pltpu.async_copy(sco_v.at[j], sco_ext.at[dst_v.at[j]], sem)
        d1.wait()
        d2.wait()
        d3.wait()
        return acc

    z = jnp.zeros((16,), jnp.float32)
    lax.fori_loop(0, _SUBS, outer, (z,) * 8)


@functools.partial(jax.jit, donate_argnums=())
def _sc_pooling(feats_F, gidx2d, idx2d, dst2d, uid2d, keep16, scale16, score2d):
    mesh = plsc.VectorSubcoreMesh(core_axis_name="c", subcore_axis_name="s")
    call = pl.kernel(
        _sc_body,
        mesh=mesh,
        out_type=[
            jax.ShapeDtypeStruct((_EXT, 128), jnp.float32),
            jax.ShapeDtypeStruct((_NPAD,), jnp.int32),
            jax.ShapeDtypeStruct((_EXT,), jnp.float32),
        ],
        scratch_types=[
            pltpu.VMEM((_SUBS, _G), jnp.int32),
            pltpu.VMEM((_SUBS, _G), jnp.int32),
            pltpu.VMEM((_SUBS, _G), jnp.int32),
            pltpu.VMEM((_SUBS, _G), jnp.int32),
            pltpu.VMEM((_SUBS, _G), jnp.float32),
            pltpu.VMEM((_G, 128), jnp.float32),
            pltpu.VMEM((_G * 16,), jnp.float32),
            pltpu.VMEM((_G * 16,), jnp.float32),
            pltpu.SemaphoreType.DMA,
            pltpu.SemaphoreType.DMA,
        ],
    )
    return call(feats_F, gidx2d, idx2d, dst2d, uid2d, keep16, scale16, score2d)


def kernel(feats_F, feats_C, W1, W2, W3, b3):
    n = feats_F.shape[0]
    offp = _tower(feats_F, W1, W2, W3, b3)
    offsets = offp[:, :3]

    off_int = (jnp.sign(offsets) * jnp.expm1(jnp.abs(offsets))).astype(jnp.int32)
    new_coords = feats_C.at[:, 1:].add(off_int)

    w = new_coords[:, 0]
    xu = jnp.clip(new_coords[:, 1] + _BIAS, 0, _FMAX)
    yu = jnp.clip(new_coords[:, 2] + _BIAS, 0, _FMAX)
    zu = jnp.clip(new_coords[:, 3] + _BIAS, 0, _FMAX)
    hi = (w << 24) | (xu << 6) | (yu >> 12)
    lo = ((yu & 0xFFF) << 18) | zu

    idx = jnp.arange(n, dtype=jnp.int32)
    hi_s, lo_s, idx_s = lax.sort((hi, lo, idx), num_keys=2)

    flag = jnp.concatenate(
        [
            jnp.ones((1,), jnp.int32),
            ((hi_s[1:] != hi_s[:-1]) | (lo_s[1:] != lo_s[:-1])).astype(jnp.int32),
        ]
    )
    uid_s = jnp.cumsum(flag) - 1
    num_u = uid_s[-1] + 1

    pad = _NPAD - n
    i_p = jnp.arange(_NPAD, dtype=jnp.int32)
    flag_p = jnp.concatenate(
        [flag, jnp.ones((1,), jnp.int32), jnp.zeros((pad - 1,), jnp.int32)]
    )
    idx_p = jnp.concatenate([idx_s, jnp.arange(n, _NPAD, dtype=jnp.int32)])
    uid_p = jnp.concatenate([uid_s, jnp.full((pad,), _TRASH, jnp.int32)])

    start = lax.cummax(jnp.where(flag_p == 1, i_p, -1))
    m = jnp.flip(lax.cummin(jnp.flip(jnp.where(flag_p == 1, i_p, 2 * _NPAD))))
    end = jnp.minimum(
        jnp.concatenate([m[1:], jnp.full((1,), _NPAD, jnp.int32)]), _NPAD
    )
    cnt = (end - start).astype(jnp.float32)
    scale = jnp.where(i_p < n, 1.0 / cnt, 0.0)

    wvec = i_p // _C
    cs = wvec * _C
    ce = cs + _C
    interior = (start >= cs) & (end <= ce)
    seg_last = i_p == end - 1
    dst = jnp.where(
        interior,
        jnp.where(seg_last, uid_p, _TRASH),
        jnp.where(
            seg_last & (end <= ce),
            _SLOT0 + 2 * wvec,
            jnp.where(i_p == ce - 1, _SLOT0 + 2 * wvec + 1, _TRASH),
        ),
    ).astype(jnp.int32)

    keep16 = jnp.repeat((1 - flag_p).astype(jnp.float32), 16)
    scale16 = jnp.repeat(scale, 16)
    score = jnp.where(i_p < n, jnp.log1p(cnt), 0.0)

    gidx_p = jnp.where(i_p < n, jnp.concatenate([idx_s, jnp.zeros((pad,), jnp.int32)]), 0)
    feats_ext, inverse_ext, scores_ext = _sc_pooling(
        feats_F,
        gidx_p.reshape(_NROWS, _G),
        idx_p.reshape(_NROWS, _G),
        dst.reshape(_NROWS, _G),
        uid_p.reshape(_NROWS, _G),
        keep16,
        scale16,
        score.reshape(_NROWS, _G),
    )

    slot_uid = (
        jnp.full((2 * _NW,), _TRASH, jnp.int32)
        .at[dst - _SLOT0]
        .set(uid_p, mode="drop")
    )
    rid = jnp.arange(_NOUT, dtype=jnp.int32)
    out_feats = jnp.where((rid < num_u)[:, None], feats_ext[:_NOUT], 0.0)
    out_feats = out_feats.at[slot_uid].set(0.0, mode="drop")
    out_feats = out_feats.at[slot_uid].add(feats_ext[_SLOT0:], mode="drop")[:n]

    out_scores = jnp.where(rid < num_u, scores_ext[:_NOUT], 0.0)
    out_scores = out_scores.at[slot_uid].set(scores_ext[_SLOT0:], mode="drop")
    out_scores = out_scores[:n, None]

    inverse = inverse_ext[:n]
    out_coords = (
        jnp.zeros((n, 4), jnp.int32).at[uid_s].set(new_coords[idx_s], mode="drop")
    )
    return (offsets, out_coords, out_feats, out_scores, inverse.astype(jnp.int64))

# --- scband reference (transcript-rebuilt; emitter-appended) ---
"""Pipeline reference for scband-offset-head-32813550141773 (READ-ONLY COPY).

The authoritative reference and input builder live on the scoring server;
editing this copy changes nothing except your own understanding.
"""

import jax, jax.numpy as jnp
import numpy as np

N = 100000
LATENT = 128

def setup_inputs(seed: int = 0) -> dict:
    key = jax.random.key(seed)
    k1, k2, k3, k4, k5, k6 = jax.random.split(key, 6)
    feats_F = jax.random.normal(k1, (N, LATENT), dtype=jnp.float32)
    feats_C = jax.random.randint(k2, (N, 4), 0, 128, dtype=jnp.int32)
    # Sparse conv tower approximated as pointwise (1x1) convs: latent -> latent//2 -> latent//4 -> 3
    W1 = jax.random.normal(k3, (LATENT, LATENT // 2), dtype=jnp.float32) * 0.05
    W2 = jax.random.normal(k4, (LATENT // 2, LATENT // 4), dtype=jnp.float32) * 0.05
    W3 = jax.random.normal(k5, (LATENT // 4, 3), dtype=jnp.float32) * 0.05
    b3 = jax.random.normal(k6, (3,), dtype=jnp.float32) * 0.05
    return {"feats_F": feats_F, "feats_C": feats_C, "W1": W1, "W2": W2, "W3": W3, "b3": b3}

def reference(feats_F, feats_C, W1, W2, W3, b3):
    n = feats_F.shape[0]
    # OffsetHead conv tower (SparseConvBlock ~ conv + ReLU, pointwise approximation)
    h = jax.nn.relu(feats_F @ W1)
    h = jax.nn.relu(h @ W2)
    offsets = h @ W3 + b3  # [N, 3]
    # _revoxelize
    off_int = (jnp.sign(offsets) * jnp.expm1(jnp.abs(offsets))).astype(jnp.int32)
    offsets_full = jnp.concatenate([jnp.zeros((n, 1), dtype=jnp.int32), off_int], axis=1)
    new_coords = feats_C + offsets_full  # [N, 4]
    # sphash + unique + sphashquery == unique rows with inverse map
    out_coords, inverse = jnp.unique(new_coords, axis=0, return_inverse=True, size=n, fill_value=0)
    inverse = inverse.ravel()
    K = out_coords.shape[0]
    counts = jnp.bincount(inverse, length=K)  # spcount
    cpp = counts[inverse][:, None].astype(feats_F.dtype)  # counts.index_select(0, idx).unsqueeze(1)
    # scatter_sum(voxel_feats.F / counts, idx_query_long)
    out_feats = jax.ops.segment_sum(feats_F / cpp, inverse, num_segments=K)
    out_scores = jnp.log1p(counts.astype(feats_F.dtype))[:, None]
    return (offsets, out_coords, out_feats, out_scores, inverse.astype(jnp.int64))

if __name__ == "__main__":
    import jax
    _d = setup_inputs()
    print(jax.jit(kernel)(*tuple(_d.values())))

</pallas_src>

<mosaic_0001>
#map = affine_map<(d0, d1) -> (0, 0)>
#map1 = affine_map<(d0, d1) -> (0)>
module attributes {stable_mosaic.version = 14 : i64} {
  func.func @_sc_body(%arg0: i32, %arg1: i32, %arg2: memref<100000x128xf32, #tpu.memory_space<hbm>>, %arg3: memref<1792x56xi32, #tpu.memory_space<hbm>>, %arg4: memref<1792x56xi32, #tpu.memory_space<hbm>>, %arg5: memref<1792x56xi32, #tpu.memory_space<hbm>>, %arg6: memref<1792x56xi32, #tpu.memory_space<hbm>>, %arg7: memref<1605632xf32, #tpu.memory_space<hbm>>, %arg8: memref<1605632xf32, #tpu.memory_space<hbm>>, %arg9: memref<1792x56xf32, #tpu.memory_space<hbm>>, %arg10: memref<100160x128xf32, #tpu.memory_space<hbm>>, %arg11: memref<100352xi32, #tpu.memory_space<hbm>>, %arg12: memref<100160xf32, #tpu.memory_space<hbm>>, %arg13: memref<56x56xi32, #tpu.memory_space<vmem>>, %arg14: memref<56x56xi32, #tpu.memory_space<vmem>>, %arg15: memref<56x56xi32, #tpu.memory_space<vmem>>, %arg16: memref<56x56xi32, #tpu.memory_space<vmem>>, %arg17: memref<56x56xf32, #tpu.memory_space<vmem>>, %arg18: memref<56x128xf32, #tpu.memory_space<vmem>>, %arg19: memref<896xf32, #tpu.memory_space<vmem>>, %arg20: memref<896xf32, #tpu.memory_space<vmem>>, %arg21: memref<!tpu.dma_semaphore, #tpu.memory_space<semaphore_mem>>, %arg22: memref<!tpu.dma_semaphore, #tpu.memory_space<semaphore_mem>>) attributes {dimension_semantics = [#tpu.dimension_semantics<core_parallel>, #tpu.dimension_semantics<subcore_parallel>], iteration_bounds = array<i64: 2, 16>, scalar_prefetch = 0 : i64, scratch_operands = 10 : i64, tpu.core_type = #tpu.core_type<sc_vector_subcore>, window_params = [{transform_indices = #map}, {transform_indices = #map}, {transform_indices = #map}, {transform_indices = #map}, {transform_indices = #map}, {transform_indices = #map1}, {transform_indices = #map1}, {transform_indices = #map}, {transform_indices = #map}, {transform_indices = #map1}, {transform_indices = #map1}]} {
    %mul3A = arith.constant 2 : i32
    %mul3A_0 = arith.muli %arg1, %mul3A : i32
    %add3A = arith.addi %mul3A_0, %arg0 : i32
    %mul3A_1 = arith.constant 56 : i32
    %mul3A_2 = arith.muli %add3A, %mul3A_1 : i32
    "tpu.region"() ({
      %run_scoped3A = tpu.sem_alloc : memref<!tpu.dma_semaphore, #tpu.memory_space<semaphore_mem>>
      %dma_start3A = arith.constant 0 : i32
      %dma_start3A_9 = tpu.memref_slice %arg3[%mul3A_2, %dma_start3A] : memref<1792x56xi32, #tpu.memory_space<hbm>> -> memref<56x56xi32, #tpu.memory_space<hbm>>
      %dma_start3A_10 = arith.constant 0 : i32
      %dma_start3A_11 = tpu.memref_slice %arg3[%mul3A_2, %dma_start3A_10] : memref<1792x56xi32, #tpu.memory_space<hbm>> -> memref<56x56xi32, #tpu.memory_space<hbm>>
      tpu.enqueue_dma source(%dma_start3A_11 : memref<56x56xi32, #tpu.memory_space<hbm>>) target(%arg13 : memref<56x56xi32, #tpu.memory_space<vmem>>) target_semaphore(%run_scoped3A : memref<!tpu.dma_semaphore, #tpu.memory_space<semaphore_mem>>)
      %dma_wait3A = arith.constant 0 : i32
      %dma_wait3A_12 = tpu.memref_slice %arg3[%mul3A_2, %dma_wait3A] : memref<1792x56xi32, #tpu.memory_space<hbm>> -> memref<56x56xi32, #tpu.memory_space<hbm>>
      %dma_wait3A_13 = arith.constant 0 : i32
      %dma_wait3A_14 = tpu.memref_slice %arg3[%mul3A_2, %dma_wait3A_13] : memref<1792x56xi32, #tpu.memory_space<hbm>> -> memref<56x56xi32, #tpu.memory_space<hbm>>
      tpu.wait_dma2 semaphore(%run_scoped3A : memref<!tpu.dma_semaphore, #tpu.memory_space<semaphore_mem>>) src(%dma_wait3A_14 : memref<56x56xi32, #tpu.memory_space<hbm>>) dst(%arg13 : memref<56x56xi32, #tpu.memory_space<vmem>>)
      tpu.yield
    }) : () -> ()
    "tpu.region"() ({
      %run_scoped3A = tpu.sem_alloc : memref<!tpu.dma_semaphore, #tpu.memory_space<semaphore_mem>>
      %dma_start3A = arith.constant 0 : i32
      %dma_start3A_9 = tpu.memref_slice %arg4[%mul3A_2, %dma_start3A] : memref<1792x56xi32, #tpu.memory_space<hbm>> -> memref<56x56xi32, #tpu.memory_space<hbm>>
      %dma_start3A_10 = arith.constant 0 : i32
      %dma_start3A_11 = tpu.memref_slice %arg4[%mul3A_2, %dma_start3A_10] : memref<1792x56xi32, #tpu.memory_space<hbm>> -> memref<56x56xi32, #tpu.memory_space<hbm>>
      tpu.enqueue_dma source(%dma_start3A_11 : memref<56x56xi32, #tpu.memory_space<hbm>>) target(%arg14 : memref<56x56xi32, #tpu.memory_space<vmem>>) target_semaphore(%run_scoped3A : memref<!tpu.dma_semaphore, #tpu.memory_space<semaphore_mem>>)
      %dma_wait3A = arith.constant 0 : i32
      %dma_wait3A_12 = tpu.memref_slice %arg4[%mul3A_2, %dma_wait3A] : memref<1792x56xi32, #tpu.memory_space<hbm>> -> memref<56x56xi32, #tpu.memory_space<hbm>>
      %dma_wait3A_13 = arith.constant 0 : i32
      %dma_wait3A_14 = tpu.memref_slice %arg4[%mul3A_2, %dma_wait3A_13] : memref<1792x56xi32, #tpu.memory_space<hbm>> -> memref<56x56xi32, #tpu.memory_space<hbm>>
      tpu.wait_dma2 semaphore(%run_scoped3A : memref<!tpu.dma_semaphore, #tpu.memory_space<semaphore_mem>>) src(%dma_wait3A_14 : memref<56x56xi32, #tpu.memory_space<hbm>>) dst(%arg14 : memref<56x56xi32, #tpu.memory_space<vmem>>)
      tpu.yield
    }) : () -> ()
    "tpu.region"() ({
      %run_scoped3A = tpu.sem_alloc : memref<!tpu.dma_semaphore, #tpu.memory_space<semaphore_mem>>
      %dma_start3A = arith.constant 0 : i32
      %dma_start3A_9 = tpu.memref_slice %arg5[%mul3A_2, %dma_start3A] : memref<1792x56xi32, #tpu.memory_space<hbm>> -> memref<56x56xi32, #tpu.memory_space<hbm>>
      %dma_start3A_10 = arith.constant 0 : i32
      %dma_start3A_11 = tpu.memref_slice %arg5[%mul3A_2, %dma_start3A_10] : memref<1792x56xi32, #tpu.memory_space<hbm>> -> memref<56x56xi32, #tpu.memory_space<hbm>>
      tpu.enqueue_dma source(%dma_start3A_11 : memref<56x56xi32, #tpu.memory_space<hbm>>) target(%arg15 : memref<56x56xi32, #tpu.memory_space<vmem>>) target_semaphore(%run_scoped3A : memref<!tpu.dma_semaphore, #tpu.memory_space<semaphore_mem>>)
      %dma_wait3A = arith.constant 0 : i32
      %dma_wait3A_12 = tpu.memref_slice %arg5[%mul3A_2, %dma_wait3A] : memref<1792x56xi32, #tpu.memory_space<hbm>> -> memref<56x56xi32, #tpu.memory_space<hbm>>
      %dma_wait3A_13 = arith.constant 0 : i32
      %dma_wait3A_14 = tpu.memref_slice %arg5[%mul3A_2, %dma_wait3A_13] : memref<1792x56xi32, #tpu.memory_space<hbm>> -> memref<56x56xi32, #tpu.memory_space<hbm>>
      tpu.wait_dma2 semaphore(%run_scoped3A : memref<!tpu.dma_semaphore, #tpu.memory_space<semaphore_mem>>) src(%dma_wait3A_14 : memref<56x56xi32, #tpu.memory_space<hbm>>) dst(%arg15 : memref<56x56xi32, #tpu.memory_space<vmem>>)
      tpu.yield
    }) : () -> ()
    "tpu.region"() ({
      %run_scoped3A = tpu.sem_alloc : memref<!tpu.dma_semaphore, #tpu.memory_space<semaphore_mem>>
      %dma_start3A = arith.constant 0 : i32
      %dma_start3A_9 = tpu.memref_slice %arg6[%mul3A_2, %dma_start3A] : memref<1792x56xi32, #tpu.memory_space<hbm>> -> memref<56x56xi32, #tpu.memory_space<hbm>>
      %dma_start3A_10 = arith.constant 0 : i32
      %dma_start3A_11 = tpu.memref_slice %arg6[%mul3A_2, %dma_start3A_10] : memref<1792x56xi32, #tpu.memory_space<hbm>> -> memref<56x56xi32, #tpu.memory_space<hbm>>
      tpu.enqueue_dma source(%dma_start3A_11 : memref<56x56xi32, #tpu.memory_space<hbm>>) target(%arg16 : memref<56x56xi32, #tpu.memory_space<vmem>>) target_semaphore(%run_scoped3A : memref<!tpu.dma_semaphore, #tpu.memory_space<semaphore_mem>>)
      %dma_wait3A = arith.constant 0 : i32
      %dma_wait3A_12 = tpu.memref_slice %arg6[%mul3A_2, %dma_wait3A] : memref<1792x56xi32, #tpu.memory_space<hbm>> -> memref<56x56xi32, #tpu.memory_space<hbm>>
      %dma_wait3A_13 = arith.constant 0 : i32
      %dma_wait3A_14 = tpu.memref_slice %arg6[%mul3A_2, %dma_wait3A_13] : memref<1792x56xi32, #tpu.memory_space<hbm>> -> memref<56x56xi32, #tpu.memory_space<hbm>>
      tpu.wait_dma2 semaphore(%run_scoped3A : memref<!tpu.dma_semaphore, #tpu.memory_space<semaphore_mem>>) src(%dma_wait3A_14 : memref<56x56xi32, #tpu.memory_space<hbm>>) dst(%arg16 : memref<56x56xi32, #tpu.memory_space<vmem>>)
      tpu.yield
    }) : () -> ()
    "tpu.region"() ({
      %run_scoped3A = tpu.sem_alloc : memref<!tpu.dma_semaphore, #tpu.memory_space<semaphore_mem>>
      %dma_start3A = arith.constant 0 : i32
      %dma_start3A_9 = tpu.memref_slice %arg9[%mul3A_2, %dma_start3A] : memref<1792x56xf32, #tpu.memory_space<hbm>> -> memref<56x56xf32, #tpu.memory_space<hbm>>
      %dma_start3A_10 = arith.constant 0 : i32
      %dma_start3A_11 = tpu.memref_slice %arg9[%mul3A_2, %dma_start3A_10] : memref<1792x56xf32, #tpu.memory_space<hbm>> -> memref<56x56xf32, #tpu.memory_space<hbm>>
      tpu.enqueue_dma source(%dma_start3A_11 : memref<56x56xf32, #tpu.memory_space<hbm>>) target(%arg17 : memref<56x56xf32, #tpu.memory_space<vmem>>) target_semaphore(%run_scoped3A : memref<!tpu.dma_semaphore, #tpu.memory_space<semaphore_mem>>)
      %dma_wait3A = arith.constant 0 : i32
      %dma_wait3A_12 = tpu.memref_slice %arg9[%mul3A_2, %dma_wait3A] : memref<1792x56xf32, #tpu.memory_space<hbm>> -> memref<56x56xf32, #tpu.memory_space<hbm>>
      %dma_wait3A_13 = arith.constant 0 : i32
      %dma_wait3A_14 = tpu.memref_slice %arg9[%mul3A_2, %dma_wait3A_13] : memref<1792x56xf32, #tpu.memory_space<hbm>> -> memref<56x56xf32, #tpu.memory_space<hbm>>
      tpu.wait_dma2 semaphore(%run_scoped3A : memref<!tpu.dma_semaphore, #tpu.memory_space<semaphore_mem>>) src(%dma_wait3A_14 : memref<56x56xf32, #tpu.memory_space<hbm>>) dst(%arg17 : memref<56x56xf32, #tpu.memory_space<vmem>>)
      tpu.yield
    }) : () -> ()
    %broadcast_in_dim3A = arith.constant 0.000000e+00 : f32
    %broadcast_in_dim3A_3 = vector.broadcast %broadcast_in_dim3A : f32 to vector<16xf32>
    %scan3A = arith.constant 0 : i32
    %scan3A_4 = arith.constant 56 : i32
    %scan3A_5 = arith.addi %scan3A, %scan3A_4 : i32
    %scan3A_6 = arith.constant 1 : i32
    %scan3A_7:8 = scf.for %scan3A_9 = %scan3A to %scan3A_5 step %scan3A_6 iter_args(%scan3A_10 = %broadcast_in_dim3A_3, %scan3A_11 = %broadcast_in_dim3A_3, %scan3A_12 = %broadcast_in_dim3A_3, %scan3A_13 = %broadcast_in_dim3A_3, %scan3A_14 = %broadcast_in_dim3A_3, %scan3A_15 = %broadcast_in_dim3A_3, %scan3A_16 = %broadcast_in_dim3A_3, %scan3A_17 = %broadcast_in_dim3A_3) -> (vector<16xf32>, vector<16xf32>, vector<16xf32>, vector<16xf32>, vector<16xf32>, vector<16xf32>, vector<16xf32>, vector<16xf32>)  : i32 {
      %dma_start3A = arith.constant 0 : i32
      %dma_start3A_18 = tpu.memref_slice %arg13[%scan3A_9, %dma_start3A] : memref<56x56xi32, #tpu.memory_space<vmem>> -> memref<1x56xi32, #tpu.memory_space<vmem>>
      %dma_start3A_19 = tpu.memref_squeeze %dma_start3A_18 : memref<1x56xi32, #tpu.memory_space<vmem>> -> memref<56xi32, #tpu.memory_space<vmem>>
      %dma_start3A_20 = arith.constant 0 : i32
      %dma_start3A_21 = arith.constant 0 : i32
      %dma_start3A_22 = tpu.memref_slice %arg2[%dma_start3A_20, %dma_start3A_21] : memref<100000x128xf32, #tpu.memory_space<hbm>> -> memref<100000x128xf32, #tpu.memory_space<hbm>>
      tpu.enqueue_indirect_dma source(%dma_start3A_22 : memref<100000x128xf32, #tpu.memory_space<hbm>>) target(%arg18 : memref<56x128xf32, #tpu.memory_space<vmem>>) offsets(%dma_start3A_19 : memref<56xi32, #tpu.memory_space<vmem>>) semaphore(%arg22 : memref<!tpu.dma_semaphore, #tpu.memory_space<semaphore_mem>>)
      %mul3A_23 = arith.constant 3136 : i32
      %mul3A_24 = arith.muli %add3A, %mul3A_23 : i32
      %mul3A_25 = arith.constant 56 : i32
      %mul3A_26 = arith.muli %scan3A_9, %mul3A_25 : i32
      %add3A_27 = arith.addi %mul3A_24, %mul3A_26 : i32
      %mul3A_28 = arith.constant 16 : i32
      %mul3A_29 = arith.muli %add3A_27, %mul3A_28 : i32
      "tpu.region"() ({
        %run_scoped3A = tpu.sem_alloc : memref<!tpu.dma_semaphore, #tpu.memory_space<semaphore_mem>>
        %dma_start3A_85 = tpu.memref_slice %arg7[%mul3A_29] : memref<1605632xf32, #tpu.memory_space<hbm>> -> memref<896xf32, #tpu.memory_space<hbm>>
        %dma_start3A_86 = tpu.memref_slice %arg7[%mul3A_29] : memref<1605632xf32, #tpu.memory_space<hbm>> -> memref<896xf32, #tpu.memory_space<hbm>>
        tpu.enqueue_dma source(%dma_start3A_86 : memref<896xf32, #tpu.memory_space<hbm>>) target(%arg19 : memref<896xf32, #tpu.memory_space<vmem>>) target_semaphore(%run_scoped3A : memref<!tpu.dma_semaphore, #tpu.memory_space<semaphore_mem>>)
        %dma_wait3A_87 = tpu.memref_slice %arg7[%mul3A_29] : memref<1605632xf32, #tpu.memory_space<hbm>> -> memref<896xf32, #tpu.memory_space<hbm>>
        %dma_wait3A_88 = tpu.memref_slice %arg7[%mul3A_29] : memref<1605632xf32, #tpu.memory_space<hbm>> -> memref<896xf32, #tpu.memory_space<hbm>>
        tpu.wait_dma2 semaphore(%run_scoped3A : memref<!tpu.dma_semaphore, #tpu.memory_space<semaphore_mem>>) src(%dma_wait3A_88 : memref<896xf32, #tpu.memory_space<hbm>>) dst(%arg19 : memref<896xf32, #tpu.memory_space<vmem>>)
        tpu.yield
      }) : () -> ()
      "tpu.region"() ({
        %run_scoped3A = tpu.sem_alloc : memref<!tpu.dma_semaphore, #tpu.memory_space<semaphore_mem>>
        %dma_start3A_85 = tpu.memref_slice %arg8[%mul3A_29] : memref<1605632xf32, #tpu.memory_space<hbm>> -> memref<896xf32, #tpu.memory_space<hbm>>
        %dma_start3A_86 = tpu.memref_slice %arg8[%mul3A_29] : memref<1605632xf32, #tpu.memory_space<hbm>> -> memref<896xf32, #tpu.memory_space<hbm>>
        tpu.enqueue_dma source(%dma_start3A_86 : memref<896xf32, #tpu.memory_space<hbm>>) target(%arg20 : memref<896xf32, #tpu.memory_space<vmem>>) target_semaphore(%run_scoped3A : memref<!tpu.dma_semaphore, #tpu.memory_space<semaphore_mem>>)
        %dma_wait3A_87 = tpu.memref_slice %arg8[%mul3A_29] : memref<1605632xf32, #tpu.memory_space<hbm>> -> memref<896xf32, #tpu.memory_space<hbm>>
        %dma_wait3A_88 = tpu.memref_slice %arg8[%mul3A_29] : memref<1605632xf32, #tpu.memory_space<hbm>> -> memref<896xf32, #tpu.memory_space<hbm>>
        tpu.wait_dma2 semaphore(%run_scoped3A : memref<!tpu.dma_semaphore, #tpu.memory_space<semaphore_mem>>) src(%dma_wait3A_88 : memref<896xf32, #tpu.memory_space<hbm>>) dst(%arg20 : memref<896xf32, #tpu.memory_space<vmem>>)
        tpu.yield
      }) : () -> ()
      %dma_wait3A = arith.constant 0 : i32
      %dma_wait3A_30 = tpu.memref_slice %arg13[%scan3A_9, %dma_wait3A] : memref<56x56xi32, #tpu.memory_space<vmem>> -> memref<1x56xi32, #tpu.memory_space<vmem>>
      %dma_wait3A_31 = tpu.memref_squeeze %dma_wait3A_30 : memref<1x56xi32, #tpu.memory_space<vmem>> -> memref<56xi32, #tpu.memory_space<vmem>>
      %dma_wait3A_32 = arith.constant 0 : i32
      %dma_wait3A_33 = arith.constant 0 : i32
      %dma_wait3A_34 = tpu.memref_slice %arg2[%dma_wait3A_32, %dma_wait3A_33] : memref<100000x128xf32, #tpu.memory_space<hbm>> -> memref<100000x128xf32, #tpu.memory_space<hbm>>
      tpu.wait_indirect_dma semaphore(%arg22 : memref<!tpu.dma_semaphore, #tpu.memory_space<semaphore_mem>>) src(%dma_wait3A_34 : memref<100000x128xf32, #tpu.memory_space<hbm>>) dst(%arg18 : memref<56x128xf32, #tpu.memory_space<vmem>>)
      %scan3A_35 = arith.constant 0 : i32
      %scan3A_36 = arith.constant 56 : i32
      %scan3A_37 = arith.addi %scan3A_35, %scan3A_36 : i32
      %scan3A_38 = arith.constant 1 : i32
      %scan3A_39:8 = scf.for %scan3A_85 = %scan3A_35 to %scan3A_37 step %scan3A_38 iter_args(%scan3A_86 = %scan3A_10, %scan3A_87 = %scan3A_11, %scan3A_88 = %scan3A_12, %scan3A_89 = %scan3A_13, %scan3A_90 = %scan3A_14, %scan3A_91 = %scan3A_15, %scan3A_92 = %scan3A_16, %scan3A_93 = %scan3A_17) -> (vector<16xf32>, vector<16xf32>, vector<16xf32>, vector<16xf32>, vector<16xf32>, vector<16xf32>, vector<16xf32>, vector<16xf32>)  : i32 {
        %mul3A_94 = arith.constant 16 : i32
        %mul3A_95 = arith.muli %scan3A_85, %mul3A_94 : i32
        %get3A = arith.index_cast %mul3A_95 : i32 to index
        %get3A_96 = tpu.vector_load %arg19[%get3A] {strides = array<i32>} : memref<896xf32, #tpu.memory_space<vmem>>, vector<16xf32>,
        %get3A_97 = vector.shape_cast %get3A_96 : vector<16xf32> to vector<16xf32>
        %mul3A_98 = arith.constant 16 : i32
        %mul3A_99 = arith.muli %scan3A_85, %mul3A_98 : i32
        %get3A_100 = arith.index_cast %mul3A_99 : i32 to index
        %get3A_101 = tpu.vector_load %arg20[%get3A_100] {strides = array<i32>} : memref<896xf32, #tpu.memory_space<vmem>>, vector<16xf32>,
        %get3A_102 = vector.shape_cast %get3A_101 : vector<16xf32> to vector<16xf32>
        %get3A_103 = arith.index_cast %scan3A_85 : i32 to index
        %get3A_104 = arith.constant 0 : index
        %get3A_105 = tpu.vector_load %arg18[%get3A_103, %get3A_104] {strides = array<i32>} : memref<56x128xf32, #tpu.memory_space<vmem>>, vector<1x16xf32>,
        %get3A_106 = vector.shape_cast %get3A_105 : vector<1x16xf32> to vector<16xf32>
        %mul3A_107 = arith.mulf %scan3A_86, %get3A_97 : vector<16xf32>
        %mul3A_108 = arith.mulf %get3A_106, %get3A_102 : vector<16xf32>
        %add3A_109 = arith.addf %mul3A_107, %mul3A_108 : vector<16xf32>
        %swap3A = arith.index_cast %scan3A_85 : i32 to index
        %swap3A_110 = arith.constant 0 : index
        %swap3A_111 = tpu.vector_load %arg18[%swap3A, %swap3A_110] {strides = array<i32>} : memref<56x128xf32, #tpu.memory_space<vmem>>, vector<1x16xf32>,
        %swap3A_112 = vector.shape_cast %swap3A_111 : vector<1x16xf32> to vector<16xf32>
        %swap3A_113 = vector.shape_cast %add3A_109 : vector<16xf32> to vector<1x16xf32>
        tpu.vector_store %arg18[%swap3A, %swap3A_110], %swap3A_113 {strides = array<i32>} : memref<56x128xf32, #tpu.memory_space<vmem>>, vector<1x16xf32>,
        %get3A_114 = arith.index_cast %scan3A_85 : i32 to index
        %get3A_115 = arith.constant 16 : index
        %get3A_116 = tpu.vector_load %arg18[%get3A_114, %get3A_115] {strides = array<i32>} : memref<56x128xf32, #tpu.memory_space<vmem>>, vector<1x16xf32>,
        %get3A_117 = vector.shape_cast %get3A_116 : vector<1x16xf32> to vector<16xf32>
        %mul3A_118 = arith.mulf %scan3A_87, %get3A_97 : vector<16xf32>
        %mul3A_119 = arith.mulf %get3A_117, %get3A_102 : vector<16xf32>
        %add3A_120 = arith.addf %mul3A_118, %mul3A_119 : vector<16xf32>
        %swap3A_121 = arith.index_cast %scan3A_85 : i32 to index
        %swap3A_122 = arith.constant 16 : index
        %swap3A_123 = tpu.vector_load %arg18[%swap3A_121, %swap3A_122] {strides = array<i32>} : memref<56x128xf32, #tpu.memory_space<vmem>>, vector<1x16xf32>,
        %swap3A_124 = vector.shape_cast %swap3A_123 : vector<1x16xf32> to vector<16xf32>
        %swap3A_125 = vector.shape_cast %add3A_120 : vector<16xf32> to vector<1x16xf32>
        tpu.vector_store %arg18[%swap3A_121, %swap3A_122], %swap3A_125 {strides = array<i32>} : memref<56x128xf32, #tpu.memory_space<vmem>>, vector<1x16xf32>,
        %get3A_126 = arith.index_cast %scan3A_85 : i32 to index
        %get3A_127 = arith.constant 32 : index
        %get3A_128 = tpu.vector_load %arg18[%get3A_126, %get3A_127] {strides = array<i32>} : memref<56x128xf32, #tpu.memory_space<vmem>>, vector<1x16xf32>,
        %get3A_129 = vector.shape_cast %get3A_128 : vector<1x16xf32> to vector<16xf32>
        %mul3A_130 = arith.mulf %scan3A_88, %get3A_97 : vector<16xf32>
        %mul3A_131 = arith.mulf %get3A_129, %get3A_102 : vector<16xf32>
        %add3A_132 = arith.addf %mul3A_130, %mul3A_131 : vector<16xf32>
        %swap3A_133 = arith.index_cast %scan3A_85 : i32 to index
        %swap3A_134 = arith.constant 32 : index
        %swap3A_135 = tpu.vector_load %arg18[%swap3A_133, %swap3A_134] {strides = array<i32>} : memref<56x128xf32, #tpu.memory_space<vmem>>, vector<1x16xf32>,
        %swap3A_136 = vector.shape_cast %swap3A_135 : vector<1x16xf32> to vector<16xf32>
        %swap3A_137 = vector.shape_cast %add3A_132 : vector<16xf32> to vector<1x16xf32>
        tpu.vector_store %arg18[%swap3A_133, %swap3A_134], %swap3A_137 {strides = array<i32>} : memref<56x128xf32, #tpu.memory_space<vmem>>, vector<1x16xf32>,
        %get3A_138 = arith.index_cast %scan3A_85 : i32 to index
        %get3A_139 = arith.constant 48 : index
        %get3A_140 = tpu.vector_load %arg18[%get3A_138, %get3A_139] {strides = array<i32>} : memref<56x128xf32, #tpu.memory_space<vmem>>, vector<1x16xf32>,
        %get3A_141 = vector.shape_cast %get3A_140 : vector<1x16xf32> to vector<16xf32>
        %mul3A_142 = arith.mulf %scan3A_89, %get3A_97 : vector<16xf32>
        %mul3A_143 = arith.mulf %get3A_141, %get3A_102 : vector<16xf32>
        %add3A_144 = arith.addf %mul3A_142, %mul3A_143 : vector<16xf32>
        %swap3A_145 = arith.index_cast %scan3A_85 : i32 to index
        %swap3A_146 = arith.constant 48 : index
        %swap3A_147 = tpu.vector_load %arg18[%swap3A_145, %swap3A_146] {strides = array<i32>} : memref<56x128xf32, #tpu.memory_space<vmem>>, vector<1x16xf32>,
        %swap3A_148 = vector.shape_cast %swap3A_147 : vector<1x16xf32> to vector<16xf32>
        %swap3A_149 = vector.shape_cast %add3A_144 : vector<16xf32> to vector<1x16xf32>
        tpu.vector_store %arg18[%swap3A_145, %swap3A_146], %swap3A_149 {strides = array<i32>} : memref<56x128xf32, #tpu.memory_space<vmem>>, vector<1x16xf32>,
        %get3A_150 = arith.index_cast %scan3A_85 : i32 to index
        %get3A_151 = arith.constant 64 : index
        %get3A_152 = tpu.vector_load %arg18[%get3A_150, %get3A_151] {strides = array<i32>} : memref<56x128xf32, #tpu.memory_space<vmem>>, vector<1x16xf32>,
        %get3A_153 = vector.shape_cast %get3A_152 : vector<1x16xf32> to vector<16xf32>
        %mul3A_154 = arith.mulf %scan3A_90, %get3A_97 : vector<16xf32>
        %mul3A_155 = arith.mulf %get3A_153, %get3A_102 : vector<16xf32>
        %add3A_156 = arith.addf %mul3A_154, %mul3A_155 : vector<16xf32>
        %swap3A_157 = arith.index_cast %scan3A_85 : i32 to index
        %swap3A_158 = arith.constant 64 : index
        %swap3A_159 = tpu.vector_load %arg18[%swap3A_157, %swap3A_158] {strides = array<i32>} : memref<56x128xf32, #tpu.memory_space<vmem>>, vector<1x16xf32>,
        %swap3A_160 = vector.shape_cast %swap3A_159 : vector<1x16xf32> to vector<16xf32>
        %swap3A_161 = vector.shape_cast %add3A_156 : vector<16xf32> to vector<1x16xf32>
        tpu.vector_store %arg18[%swap3A_157, %swap3A_158], %swap3A_161 {strides = array<i32>} : memref<56x128xf32, #tpu.memory_space<vmem>>, vector<1x16xf32>,
        %get3A_162 = arith.index_cast %scan3A_85 : i32 to index
        %get3A_163 = arith.constant 80 : index
        %get3A_164 = tpu.vector_load %arg18[%get3A_162, %get3A_163] {strides = array<i32>} : memref<56x128xf32, #tpu.memory_space<vmem>>, vector<1x16xf32>,
        %get3A_165 = vector.shape_cast %get3A_164 : vector<1x16xf32> to vector<16xf32>
        %mul3A_166 = arith.mulf %scan3A_91, %get3A_97 : vector<16xf32>
        %mul3A_167 = arith.mulf %get3A_165, %get3A_102 : vector<16xf32>
        %add3A_168 = arith.addf %mul3A_166, %mul3A_167 : vector<16xf32>
        %swap3A_169 = arith.index_cast %scan3A_85 : i32 to index
        %swap3A_170 = arith.constant 80 : index
        %swap3A_171 = tpu.vector_load %arg18[%swap3A_169, %swap3A_170] {strides = array<i32>} : memref<56x128xf32, #tpu.memory_space<vmem>>, vector<1x16xf32>,
        %swap3A_172 = vector.shape_cast %swap3A_171 : vector<1x16xf32> to vector<16xf32>
        %swap3A_173 = vector.shape_cast %add3A_168 : vector<16xf32> to vector<1x16xf32>
        tpu.vector_store %arg18[%swap3A_169, %swap3A_170], %swap3A_173 {strides = array<i32>} : memref<56x128xf32, #tpu.memory_space<vmem>>, vector<1x16xf32>,
        %get3A_174 = arith.index_cast %scan3A_85 : i32 to index
        %get3A_175 = arith.constant 96 : index
        %get3A_176 = tpu.vector_load %arg18[%get3A_174, %get3A_175] {strides = array<i32>} : memref<56x128xf32, #tpu.memory_space<vmem>>, vector<1x16xf32>,
        %get3A_177 = vector.shape_cast %get3A_176 : vector<1x16xf32> to vector<16xf32>
        %mul3A_178 = arith.mulf %scan3A_92, %get3A_97 : vector<16xf32>
        %mul3A_179 = arith.mulf %get3A_177, %get3A_102 : vector<16xf32>
        %add3A_180 = arith.addf %mul3A_178, %mul3A_179 : vector<16xf32>
        %swap3A_181 = arith.index_cast %scan3A_85 : i32 to index
        %swap3A_182 = arith.constant 96 : index
        %swap3A_183 = tpu.vector_load %arg18[%swap3A_181, %swap3A_182] {strides = array<i32>} : memref<56x128xf32, #tpu.memory_space<vmem>>, vector<1x16xf32>,
        %swap3A_184 = vector.shape_cast %swap3A_183 : vector<1x16xf32> to vector<16xf32>
        %swap3A_185 = vector.shape_cast %add3A_180 : vector<16xf32> to vector<1x16xf32>
        tpu.vector_store %arg18[%swap3A_181, %swap3A_182], %swap3A_185 {strides = array<i32>} : memref<56x128xf32, #tpu.memory_space<vmem>>, vector<1x16xf32>,
        %get3A_186 = arith.index_cast %scan3A_85 : i32 to index
        %get3A_187 = arith.constant 112 : index
        %get3A_188 = tpu.vector_load %arg18[%get3A_186, %get3A_187] {strides = array<i32>} : memref<56x128xf32, #tpu.memory_space<vmem>>, vector<1x16xf32>,
        %get3A_189 = vector.shape_cast %get3A_188 : vector<1x16xf32> to vector<16xf32>
        %mul3A_190 = arith.mulf %scan3A_93, %get3A_97 : vector<16xf32>
        %mul3A_191 = arith.mulf %get3A_189, %get3A_102 : vector<16xf32>
        %add3A_192 = arith.addf %mul3A_190, %mul3A_191 : vector<16xf32>
        %swap3A_193 = arith.index_cast %scan3A_85 : i32 to index
        %swap3A_194 = arith.constant 112 : index
        %swap3A_195 = tpu.vector_load %arg18[%swap3A_193, %swap3A_194] {strides = array<i32>} : memref<56x128xf32, #tpu.memory_space<vmem>>, vector<1x16xf32>,
        %swap3A_196 = vector.shape_cast %swap3A_195 : vector<1x16xf32> to vector<16xf32>
        %swap3A_197 = vector.shape_cast %add3A_192 : vector<16xf32> to vector<1x16xf32>
        tpu.vector_store %arg18[%swap3A_193, %swap3A_194], %swap3A_197 {strides = array<i32>} : memref<56x128xf32, #tpu.memory_space<vmem>>, vector<1x16xf32>,
        scf.yield %add3A_109, %add3A_120, %add3A_132, %add3A_144, %add3A_156, %add3A_168, %add3A_180, %add3A_192 : vector<16xf32>, vector<16xf32>, vector<16xf32>, vector<16xf32>, vector<16xf32>, vector<16xf32>, vector<16xf32>, vector<16xf32>
      }
      %scan3A_40 = arith.constant 56 : i32
      %dma_start3A_41 = arith.constant 0 : i32
      %dma_start3A_42 = tpu.memref_slice %arg15[%scan3A_9, %dma_start3A_41] : memref<56x56xi32, #tpu.memory_space<vmem>> -> memref<1x56xi32, #tpu.memory_space<vmem>>
      %dma_start3A_43 = tpu.memref_squeeze %dma_start3A_42 : memref<1x56xi32, #tpu.memory_space<vmem>> -> memref<56xi32, #tpu.memory_space<vmem>>
      %dma_start3A_44 = arith.constant 0 : i32
      %dma_start3A_45 = arith.constant 0 : i32
      %dma_start3A_46 = tpu.memref_slice %arg10[%dma_start3A_44, %dma_start3A_45] : memref<100160x128xf32, #tpu.memory_space<hbm>> -> memref<100160x128xf32, #tpu.memory_space<hbm>>
      tpu.enqueue_indirect_dma source(%arg18 : memref<56x128xf32, #tpu.memory_space<vmem>>) target(%dma_start3A_46 : memref<100160x128xf32, #tpu.memory_space<hbm>>) offsets(%dma_start3A_43 : memref<56xi32, #tpu.memory_space<vmem>>) semaphore(%arg21 : memref<!tpu.dma_semaphore, #tpu.memory_space<semaphore_mem>>)
      %dma_start3A_47 = arith.constant 0 : i32
      %dma_start3A_48 = tpu.memref_slice %arg16[%scan3A_9, %dma_start3A_47] : memref<56x56xi32, #tpu.memory_space<vmem>> -> memref<1x56xi32, #tpu.memory_space<vmem>>
      %dma_start3A_49 = tpu.memref_squeeze %dma_start3A_48 : memref<1x56xi32, #tpu.memory_space<vmem>> -> memref<56xi32, #tpu.memory_space<vmem>>
      %dma_start3A_50 = arith.constant 0 : i32
      %dma_start3A_51 = tpu.memref_slice %arg14[%scan3A_9, %dma_start3A_50] : memref<56x56xi32, #tpu.memory_space<vmem>> -> memref<1x56xi32, #tpu.memory_space<vmem>>
      %dma_start3A_52 = tpu.memref_squeeze %dma_start3A_51 : memref<1x56xi32, #tpu.memory_space<vmem>> -> memref<56xi32, #tpu.memory_space<vmem>>
      %dma_start3A_53 = arith.constant 0 : i32
      %dma_start3A_54 = tpu.memref_slice %arg11[%dma_start3A_53] : memref<100352xi32, #tpu.memory_space<hbm>> -> memref<100352xi32, #tpu.memory_space<hbm>>
      tpu.enqueue_indirect_dma source(%dma_start3A_49 : memref<56xi32, #tpu.memory_space<vmem>>) target(%dma_start3A_54 : memref<100352xi32, #tpu.memory_space<hbm>>) offsets(%dma_start3A_52 : memref<56xi32, #tpu.memory_space<vmem>>) semaphore(%arg21 : memref<!tpu.dma_semaphore, #tpu.memory_space<semaphore_mem>>)
      %dma_start3A_55 = arith.constant 0 : i32
      %dma_start3A_56 = tpu.memref_slice %arg17[%scan3A_9, %dma_start3A_55] : memref<56x56xf32, #tpu.memory_space<vmem>> -> memref<1x56xf32, #tpu.memory_space<vmem>>
      %dma_start3A_57 = tpu.memref_squeeze %dma_start3A_56 : memref<1x56xf32, #tpu.memory_space<vmem>> -> memref<56xf32, #tpu.memory_space<vmem>>
      %dma_start3A_58 = arith.constant 0 : i32
      %dma_start3A_59 = tpu.memref_slice %arg15[%scan3A_9, %dma_start3A_58] : memref<56x56xi32, #tpu.memory_space<vmem>> -> memref<1x56xi32, #tpu.memory_space<vmem>>
      %dma_start3A_60 = tpu.memref_squeeze %dma_start3A_59 : memref<1x56xi32, #tpu.memory_space<vmem>> -> memref<56xi32, #tpu.memory_space<vmem>>
      %dma_start3A_61 = arith.constant 0 : i32
      %dma_start3A_62 = tpu.memref_slice %arg12[%dma_start3A_61] : memref<100160xf32, #tpu.memory_space<hbm>> -> memref<100160xf32, #tpu.memory_space<hbm>>
      tpu.enqueue_indirect_dma source(%dma_start3A_57 : memref<56xf32, #tpu.memory_space<vmem>>) target(%dma_start3A_62 : memref<100160xf32, #tpu.memory_space<hbm>>) offsets(%dma_start3A_60 : memref<56xi32, #tpu.memory_space<vmem>>) semaphore(%arg21 : memref<!tpu.dma_semaphore, #tpu.memory_space<semaphore_mem>>)
      %dma_wait3A_63 = arith.constant 0 : i32
      %dma_wait3A_64 = tpu.memref_slice %arg15[%scan3A_9, %dma_wait3A_63] : memref<56x56xi32, #tpu.memory_space<vmem>> -> memref<1x56xi32, #tpu.memory_space<vmem>>
      %dma_wait3A_65 = tpu.memref_squeeze %dma_wait3A_64 : memref<1x56xi32, #tpu.memory_space<vmem>> -> memref<56xi32, #tpu.memory_space<vmem>>
      %dma_wait3A_66 = arith.constant 0 : i32
      %dma_wait3A_67 = arith.constant 0 : i32
      %dma_wait3A_68 = tpu.memref_slice %arg10[%dma_wait3A_66, %dma_wait3A_67] : memref<100160x128xf32, #tpu.memory_space<hbm>> -> memref<100160x128xf32, #tpu.memory_space<hbm>>
      tpu.wait_indirect_dma semaphore(%arg21 : memref<!tpu.dma_semaphore, #tpu.memory_space<semaphore_mem>>) src(%arg18 : memref<56x128xf32, #tpu.memory_space<vmem>>) dst(%dma_wait3A_68 : memref<100160x128xf32, #tpu.memory_space<hbm>>)
      %dma_wait3A_69 = arith.constant 0 : i32
      %dma_wait3A_70 = tpu.memref_slice %arg16[%scan3A_9, %dma_wait3A_69] : memref<56x56xi32, #tpu.memory_space<vmem>> -> memref<1x56xi32, #tpu.memory_space<vmem>>
      %dma_wait3A_71 = tpu.memref_squeeze %dma_wait3A_70 : memref<1x56xi32, #tpu.memory_space<vmem>> -> memref<56xi32, #tpu.memory_space<vmem>>
      %dma_wait3A_72 = arith.constant 0 : i32
      %dma_wait3A_73 = tpu.memref_slice %arg14[%scan3A_9, %dma_wait3A_72] : memref<56x56xi32, #tpu.memory_space<vmem>> -> memref<1x56xi32, #tpu.memory_space<vmem>>
      %dma_wait3A_74 = tpu.memref_squeeze %dma_wait3A_73 : memref<1x56xi32, #tpu.memory_space<vmem>> -> memref<56xi32, #tpu.memory_space<vmem>>
      %dma_wait3A_75 = arith.constant 0 : i32
      %dma_wait3A_76 = tpu.memref_slice %arg11[%dma_wait3A_75] : memref<100352xi32, #tpu.memory_space<hbm>> -> memref<100352xi32, #tpu.memory_space<hbm>>
      tpu.wait_indirect_dma semaphore(%arg21 : memref<!tpu.dma_semaphore, #tpu.memory_space<semaphore_mem>>) src(%dma_wait3A_71 : memref<56xi32, #tpu.memory_space<vmem>>) dst(%dma_wait3A_76 : memref<100352xi32, #tpu.memory_space<hbm>>)
      %dma_wait3A_77 = arith.constant 0 : i32
      %dma_wait3A_78 = tpu.memref_slice %arg17[%scan3A_9, %dma_wait3A_77] : memref<56x56xf32, #tpu.memory_space<vmem>> -> memref<1x56xf32, #tpu.memory_space<vmem>>
      %dma_wait3A_79 = tpu.memref_squeeze %dma_wait3A_78 : memref<1x56xf32, #tpu.memory_space<vmem>> -> memref<56xf32, #tpu.memory_space<vmem>>
      %dma_wait3A_80 = arith.constant 0 : i32
      %dma_wait3A_81 = tpu.memref_slice %arg15[%scan3A_9, %dma_wait3A_80] : memref<56x56xi32, #tpu.memory_space<vmem>> -> memref<1x56xi32, #tpu.memory_space<vmem>>
      %dma_wait3A_82 = tpu.memref_squeeze %dma_wait3A_81 : memref<1x56xi32, #tpu.memory_space<vmem>> -> memref<56xi32, #tpu.memory_space<vmem>>
      %dma_wait3A_83 = arith.constant 0 : i32
      %dma_wait3A_84 = tpu.memref_slice %arg12[%dma_wait3A_83] : memref<100160xf32, #tpu.memory_space<hbm>> -> memref<100160xf32, #tpu.memory_space<hbm>>
      tpu.wait_indirect_dma semaphore(%arg21 : memref<!tpu.dma_semaphore, #tpu.memory_space<semaphore_mem>>) src(%dma_wait3A_79 : memref<56xf32, #tpu.memory_space<vmem>>) dst(%dma_wait3A_84 : memref<100160xf32, #tpu.memory_space<hbm>>)
      scf.yield %scan3A_39#0, %scan3A_39#1, %scan3A_39#2, %scan3A_39#3, %scan3A_39#4, %scan3A_39#5, %scan3A_39#6, %scan3A_39#7 : vector<16xf32>, vector<16xf32>, vector<16xf32>, vector<16xf32>, vector<16xf32>, vector<16xf32>, vector<16xf32>, vector<16xf32>
    }
    %scan3A_8 = arith.constant 56 : i32
    return
  }
}

</mosaic_0001>

<sc_bundles>
// kernel: _sc_pooling.3.cloned.1.call-start
scs
__scs_entry_jumppad:
0x0: {  	(pc) =	sbr.rel $0x88, $3  }
0x1: {  	(tag) =	ssettag $0x0;
	lr =	simm.s32 $0x1  }
0x2: {  	[smem:$0x3F99] =	sst lr;
	_ =	strace $0xD0000000  }
0x3: {  	_ = 	snop  }
0x4: {  	_ = 	snop  }
0x5: {  	_ = 	snop  }
0x6: {  	_ = 	snop  }
0x7: {  	_ = 	snop  }
__scs_overlays_trampoline_lowered:
0x8: {  	[smem:$0x3FA8] =	sst s0  }
0x9: {  	[smem:$0x3FA9] =	sst s1  }
0xa: {  	[smem:$0x3FAA] =	sst s2  }
0xb: {  	[smem:$0x3FAB] =	sst s3  }
0xc: {  	[smem:$0x3FAC] =	sst s4  }
0xd: {  	[smem:$0x3FAD] =	sst s5  }
0xe: {  	[smem:$0x3FAE] =	sst s6  }
0xf: {  	[smem:$0x3FAF] =	sst s7  }
0x10: {  	[smem:$0x3FB0] =	sst s8  }
0x11: {  	[smem:$0x3FB1] =	sst s9;
	s0 =	simm.s32 @!p0 $0x0  }
0x12: {  	s1 =	sld [smem:$0x3F97];
	s0 =	simm.s32 @p0 $0x1  }
0x13: {  	[smem:$0x3FB2] =	sst s0;
	s0 =	simm.s32 @!p1 $0x0  }
0x14: {  	s2 =	sld [smem:$0x3F96];
	s0 =	simm.s32 @p1 $0x1  }
0x15: {  	[smem:$0x3FB3] =	sst s0;
	s0 =	simm.s32 @!p2 $0x0  }
0x16: {  	s3 =	sld [smem:$0x3FDB];
	s0 =	simm.s32 @p2 $0x1  }
0x17: {  	s4 =	simm.s32 $0x1BF5;
	[smem:$0x3FB5] =	sst s0  }
0x18: {  	s0 =	sld [smem:$0x3F98];
	_ =	swait.ge [sflag:s4], $0x0  }
0x19: {  	s7 =	sld [smem:$0x3F99]  }
0x1a: {  	s8 =	sadd.s32 $0xFFFFE003, lr  }
0x1b: {  	s9 =	sadd.s32 $0xFFFFFEF7, lr;
	s5 =	simm.s32 $0xFFFFFFFF;
	p2 =	slt.u32 s8, $0xFFFFF086  }
0x1c: {  	p1 =	slt.u32 s9, $0xF7A;
	s5 =	simm.s32 @!p2 $0x0  }
0x1d: {  	s5 =	simm.s32 @p1 $0x1;
	p0 =	seq.s32 s7, s2  }
0x1e: {  	s7 =	smul.u32 @!p0 $0xF7A, s2;
	p2 =	seq.s32 @!p0 s5, $0x0  }
0x1f: {  	s9 =	smul.u32 $0xF7A, s1;
	s8 =	simm.s32 @!p0 $0x1BF5;
	p2 =	por !p2, p0  }
0x20: {  	[sflag:s8] =	ssyncset.s32 @!p0 $0xFFFFF086;
	s6 =	sadd.s32 @!p0 s3, s7;
	s7 =	simm.s32 @!p0 $0x108  }
0x21: {  	s3 =	sadd.s32 s3, s9;
	s6 =	sadd.s32 @!p0 $0x88, s6;
	s7 =	simm.s32 @p2 $0x1082  }
0x22: {  	[simem:s7], [sflag:s8] =	dma.local @!p0 [hbm:s6], $0xF7A  }
0x23: {  	s9 =	sor.u32 $0xD0000000, s2;
	s6 =	simm.s32 $0x108;
	_ =	swait.ge @!p0 [sflag:s8], $0x0  }
0x24: {  	s3 =	sadd.s32 $0x88, s3;
	s6 =	simm.s32 @!p1 $0x1082;
	[sflag:s4] =	ssyncset.s32 $0xFFFFF086  }
0x25: {  	[simem:s6], [sflag:s4] =	dma.local [hbm:s3], $0xF7A  }
0x26: {  	[smem:$0x3F99] =	sst s1;
	(tag) =	ssettag s2;
	_ =	strace s9  }
0x27: {  	s1 =	sld [smem:$0x3FA9]  }
0x28: {  	s2 =	sld [smem:$0x3FAA]  }
0x29: {  	s4 =	sld [smem:$0x3FAC]  }
0x2a: {  	p0 =	seq.s32 s5, $0x0;
	s5 =	sld [smem:$0x3FAD]  }
0x2b: {  	s6 =	sld [smem:$0x3FAE]  }
0x2c: {  	s7 =	sld [smem:$0x3FAF]  }
0x2d: {  	s3 =	simm.s32 $0x108;
	s8 =	sld [smem:$0x3FB0]  }
0x2e: {  	s3 =	simm.s32 @!p0 $0x1082;
	s9 =	sld [smem:$0x3FB1]  }
0x2f: {  	lr =	sadd.s32 s0, s3;
	s0 =	sld [smem:$0x3FA8]  }
0x30: {  	s3 =	sld [smem:$0x3FAB]  }
0x31: {  	[smem:$0x3FB4] =	sst s10  }
0x32: {  	s10 =	sld [smem:$0x3FB2];
	_ =	sdelay $0x3  }
0x33: {  	p0 =	seq.s32 s10, $0x1;
	s10 =	sld [smem:$0x3FB4];
	_ =	sdelay $0x3  }
0x34: {  	[smem:$0x3FB4] =	sst s10  }
0x35: {  	s10 =	sld [smem:$0x3FB3];
	_ =	sdelay $0x3  }
0x36: {  	p1 =	seq.s32 s10, $0x1;
	s10 =	sld [smem:$0x3FB4];
	_ =	sdelay $0x3  }
0x37: {  	[smem:$0x3FB4] =	sst s10  }
0x38: {  	s10 =	sld [smem:$0x3FB5]  }
0x39: {  	_ = 	snop;
	(pc) =	sbr.ind lr, $3  }
0x3a: {  	_ = 	snop  }
0x3b: {  	_ = 	snop  }
0x3c: {  	p2 =	seq.s32 s10, $0x1;
	s10 =	sld [smem:$0x3FB4]  }
0x3d: {  	_ =	shalt  }
0x3e: {  	_ =	shalt  }
0x3f: {  	_ =	shalt  }
0x40: {  	_ =	shalt  }
0x41: {  	_ =	shalt  }
0x42: {  	_ =	shalt  }
0x43: {  	_ =	shalt  }
0x44: {  	_ =	shalt  }
0x45: {  	_ =	shalt  }
0x46: {  	_ =	shalt  }
0x47: {  	_ =	shalt  }
0x48: {  	_ =	shalt  }
0x49: {  	_ =	shalt  }
0x4a: {  	_ =	shalt  }
0x4b: {  	_ =	shalt  }
0x4c: {  	_ =	shalt  }
0x4d: {  	_ =	shalt  }
0x4e: {  	_ =	shalt  }
0x4f: {  	_ =	shalt  }
0x50: {  	_ =	shalt  }
0x51: {  	_ =	shalt  }
0x52: {  	_ =	shalt  }
0x53: {  	_ =	shalt  }
0x54: {  	_ =	shalt  }
0x55: {  	_ =	shalt  }
0x56: {  	_ =	shalt  }
0x57: {  	_ =	shalt  }
0x58: {  	_ =	shalt  }
0x59: {  	_ =	shalt  }
0x5a: {  	_ =	shalt  }
0x5b: {  	_ =	shalt  }
0x5c: {  	_ =	shalt  }
0x5d: {  	_ =	shalt  }
0x5e: {  	_ =	shalt  }
0x5f: {  	_ =	shalt  }
0x60: {  	_ =	shalt  }
0x61: {  	_ =	shalt  }
0x62: {  	_ =	shalt  }
0x63: {  	_ =	shalt  }
0x64: {  	_ =	shalt  }
0x65: {  	_ =	shalt  }
0x66: {  	_ =	shalt  }
0x67: {  	_ =	shalt  }
0x68: {  	_ =	shalt  }
0x69: {  	_ =	shalt  }
0x6a: {  	_ =	shalt  }
0x6b: {  	_ =	shalt  }
0x6c: {  	_ =	shalt  }
0x6d: {  	_ =	shalt  }
0x6e: {  	_ =	shalt  }
0x6f: {  	_ =	shalt  }
0x70: {  	_ =	shalt  }
0x71: {  	_ =	shalt  }
0x72: {  	_ =	shalt  }
0x73: {  	_ =	shalt  }
0x74: {  	_ =	shalt  }
0x75: {  	_ =	shalt  }
0x76: {  	_ =	shalt  }
0x77: {  	_ =	shalt  }
0x78: {  	_ =	shalt  }
0x79: {  	_ =	shalt  }
0x7a: {  	_ =	shalt  }
0x7b: {  	_ =	shalt  }
0x7c: {  	_ =	shalt  }
0x7d: {  	_ =	shalt  }
0x7e: {  	_ =	shalt  }
0x7f: {  	_ =	shalt  }
0x80: {  	_ =	shalt  }
0x81: {  	_ =	shalt  }
0x82: {  	_ =	shalt  }
0x83: {  	_ =	shalt  }
0x84: {  	_ =	shalt  }
0x85: {  	_ =	shalt  }
0x86: {  	_ =	shalt  }
0x87: {  	_ =	shalt  }
.Lfunc_end0:
.L_simem_size_0:
called_computation_lowered:
.L_overlay_start_0:
0x88: {  	s2 =	sld [smem:$0x3FD9]  }
0x89: {  	s3 =	sld [smem:$0x3FFE];
	_ =	sdelay $0x1  }
0x8a: {  	s1 =	srdreg.scid  }
0x8b: {  	s0 =	sand.u32 $0x1, s1  }
0x8c: {  	s14 =	sshll.u32 s0, $0xA;
	s2 =	sadd.s32 s3, s2  }
0x8d: {  	s2 =	sadd.s32 s2, s14  }
0x8e: {  	[smem:$0x3FC0] =	sst s2  }
0x8f: {  	_ = 	snop  }
0x90: {  	s2 =	sld [smem:$0x3FD0]  }
0x91: {  	s15 =	sld [smem:$0x3FC9]  }
0x92: {  	s4 =	sld [smem:$0x3FC4]  }
0x93: {  	s6 =	simm.s32 $0xA;
	s7 =	simm.s32 $0x10;
	s5 =	sld [smem:$0x3FC3]  }
0x94: {  	[smem:s7], [sflag:s6] =	dma.local [hbm:s2], $0x1  }
0x95: {  	_ =	swait.eq [sflag:s6], $0x1  }
0x96: {  	s16 =	sld [smem:$0x10];
	[sflag:s6] =	ssyncset.done $0x0  }
0x97: {  	s17 =	sld [smem:$0x11];
	[sflag:s6] =	ssyncadd.s32 $0xFFFFFFFF  }
0x98: {  	s18 =	sld [smem:$0x12];
	(tm) =	ssettm $0x1  }
0x99: {  	s8 =	sld [smem:$0x3FFB];
	_ =	sdelay $0x3  }
0x9a: {  	_ =	strace s8  }
0x9b: {  	s8 =	sld [smem:$0x3FFC];
	_ =	sdelay $0x3  }
0x9c: {  	_ =	strace s8  }
0x9d: {  	s8 =	sld [smem:$0x3FFD];
	_ =	sdelay $0x3  }
0x9e: {  	_ =	strace s8  }
0x9f: {  	_ =	strace $0x8FFFFFFF  }
0xa0: {  	s19 =	sld [smem:$0x3FDB];
	_ =	sdelay $0x1  }
0xa1: {  	s9 =	simm.s32 $_scs_section_size  }
0xa2: {  	s10 =	simm.s32 $_size__tile_overlayer_lowered;
	s11 =	simm.s32 $_tile_overlayer_lowered  }
0xa3: {  	s22 =	simm.s32 $0x1BFF;
	s21 =	sshll.u32 s11, $0x1;
	s8 =	sadd.s32 s9, s19  }
0xa4: {  	s12 =	simm.s32 $0x0;
	s20 =	sshll.u32 s10, $0x1;
	s10 =	sadd.s32 s21, s8  }
0xa5: {  	[timem:s12], [sflag:s22] =	dma.local [hbm:s10], s20  }
0xa6: {  	_ =	swait.ge [sflag:s22], s20  }
0xa7: {  	s9 =	ssub.s32 $0x0, s20;
	[sflag:s22] =	ssyncset.done $0x0  }
0xa8: {  	[sflag:s22] =	ssyncadd.s32 s9;
	_ =	sdelay $0x1  }
0xa9: {  	s23 =	simm.s32 $0x1B8B  }
0xaa: {  	_ =	swait.ge [sflag:s23], $0x1  }
0xab: {  	[sflag:s23] =	ssyncset.done $0x0  }
0xac: {  	s25 =	simm.s32 $0x1B8E;
	s24 =	sld [smem:$0x3FFE];
	[sflag:s23] =	ssyncadd.s32 $0xFFFFFFFF  }
0xad: {  	s26 =	simm.s32 $execute0_lowered;
	[smem:$0x3FD2] =	sst s25  }
0xae: {  	s10 =	sshll.u32 s26, $0x1;
	_ =	strace $0x80000046;
	[dreg:$0x1] =	wrdreg $0xFFFFFFFF  }
0xaf: {  	s28 =	simm.s32 $_size_execute0_lowered;
	s8 =	sadd.s32 s8, s10;
	[dreg:$0x0] =	wrdreg $0x0  }
0xb0: {  	s10 =	sshll.u32 s28, $0x1;
	[dreg:$0x2] =	wrdreg s8  }
0xb1: {  	[dreg:$0x3] =	wrdreg s10  }
0xb2: {  	[dreg:$0x4] =	wrdreg $0xC0  }
0xb3: {  	_ =	task [dreg:s12], $0x5FFFF  }
0xb4: {  	[dreg:$0x1] =	wrdreg $0xFFFFFFFF  }
0xb5: {  	[dreg:$0x0] =	wrdreg $0x60  }
0xb6: {  	[dreg:$0x2] =	wrdreg s15  }
0xb7: {  	[dreg:$0x3] =	wrdreg s24  }
0xb8: {  	[dreg:$0x4] =	wrdreg s4  }
0xb9: {  	[dreg:$0x5] =	wrdreg s5  }
0xba: {  	[dreg:$0x6] =	wrdreg s16  }
0xbb: {  	[dreg:$0x7] =	wrdreg s17  }
0xbc: {  	[dreg:$0x8] =	wrdreg s18  }
0xbd: {  	[dreg:$0x9] =	wrdreg $0x9  }
0xbe: {  	_ =	task.clear_ibuf [dreg:s12], $0xAFFFF;
	_ =	strace $0x90000046  }
0xbf: {  	s29 =	simm.s32 $0x9;
	_ =	strace $0x80000048  }
0xc0: {  	_ =	swait.ge [sflag:s29], $0x1  }
0xc1: {  	[sflag:s29] =	ssyncadd.s32 $0xFFFFFFFF  }
0xc2: {  	_ =	strace $0x90000048  }
0xc3: {  	_ =	sfence  }
0xc4: {  	s30 =	sld [smem:$0x0];
	_ =	sdelay $0x2  }
0xc5: {  	s31 =	sshll.u32 s1, $0xD;
	s1 =	sshrl.u32 s1, $0x2  }
0xc6: {  	s3 =	sand.u32 $0x4000, s31;
	s1 =	sadd.s32 s1, s30  }
0xc7: {  	s0 =	sor.u32 s3, s0;
	s1 =	sshll.u32 s1, $0x11  }
0xc8: {  	s0 =	sor.u32 s1, s0  }
0xc9: {  	s0 =	sadd.s32 $0x8F2B, s0  }
0xca: {  	[sflag:s0] =	ssyncadd.remote.s32 $0x1  }
0xcb: {  	_ =	sfence.sel $0xFFFF  }
0xcc: {  	[dreg:$0x0] =	wrdreg $0xFFFFFFFF;
	(pc) =	sbr.abs _section_cstart, $3  }
0xcd: {  	[dreg:$0x1] =	wrdreg $0xFFFFFFFF  }
0xce: {  	_ =	task.clear_ibuf [dreg:s12], $0x2FFFF;
	_ =	strace $0x9FFFFFFF  }
0xcf: {  	(tm) =	ssettm $0x7FFFFFFF  }
tec
execute0_lowered:
.L_overlay_start_1:
0x0: {  	(tag) =	ssettag $0x1  }
0x1: {  	s0 =	rddreg [dreg:$0x0]  }
0x2: {  	s1 =	rddreg [dreg:$0x1]  }
0x3: {  	s2 =	rddreg [dreg:$0x2]  }
0x4: {  	s3 =	rddreg [dreg:$0x3]  }
0x5: {  	s5 =	srdreg.scid;
	s6 =	stileid.u32  }
0x6: {  	s4 =	rddreg [dreg:$0x4];
	s8 =	simm.s32 $0x0;
	s16 =	simm.s32 $0x3  }
0x7: {  	s20 =	simm.s32 $0x7000;
	s21 =	simm.s32 $0x38;
	s22 =	simm.s32 $0x8C00  }
0x8: {  	s23 =	simm.s32 $0xA800;
	s24 =	simm.s32 $0xAB80;
	s25 =	simm.s32 $0x2  }
0x9: {  	s26 =	simm.s32 $0x1;
	s5 =	sand.u32 $0x1, s5;
	s7 =	sshll.u32 s6, $0x1  }
0xa: {  	s28 =	simm.s32 $0x0;
	s6 =	rddreg [dreg:$0x5];
	s14 =	sor.u32 s5, s7  }
0xb: {  	[smem:$0x7FF] =	sst s8;
	s5 =	ssub.s32 $0x2, s5;
	s9 =	smul.u32 $0x380, s14  }
0xc: {  	s7 =	rddreg [dreg:$0x6];
	_ =	strace $0x80000047;
	s31 =	sshrl.u32 s5, $0x1  }
0xd: {  	s14 =	smul.u32 $0xC40, s14;
	s5 =	ssub.s32 s5, s31;
	s1 =	sadd.s32 s9, s1  }
0xe: {  	s15 =	smax.u32 s5, $0x1;
	s9 =	sadd.s32 $0x600, s1;
	s10 =	sadd.s32 $0x7600, s1  }
0xf: {  	s11 =	sadd.s32 $0xE600, s1;
	s12 =	sadd.s32 $0x15600, s1;
	s13 =	sadd.s32 $0x1C600, s1  }
.LBB2_1:
0x10: {  	[tilespmem:s8], [sflag:$0x3] =	stream.linear.gather [hbm4b:s9+s8], $0x1C00, $0x38;
	[tilespmem:$0xAF00] =	vst v63  }
0x11: {  	_ =	swait.ge [sflag:s16], $0x1C00  }
0x12: {  	[sflag:s16] =	ssyncset.done $0x0  }
0x13: {  	s1 =	simm.s32 $0x1C00;
	[sflag:s16] =	ssyncadd.s32 $0xFFFFE400  }
0x14: {  	[tilespmem:s1], [sflag:$0x3] =	stream.linear.gather [hbm4b:s10+s8], $0x1C00, $0x38;
	[tilespmem:$0xAF00] =	vst v63  }
0x15: {  	_ =	swait.ge [sflag:s16], $0x1C00  }
0x16: {  	[sflag:s16] =	ssyncset.done $0x0  }
0x17: {  	s30 =	simm.s32 $0x3800;
	[sflag:s16] =	ssyncadd.s32 $0xFFFFE400  }
0x18: {  	[tilespmem:s30], [sflag:$0x3] =	stream.linear.gather [hbm4b:s11+s8], $0x1C00, $0x38;
	[tilespmem:$0xAF00] =	vst v63  }
0x19: {  	_ =	swait.ge [sflag:s16], $0x1C00  }
0x1a: {  	[sflag:s16] =	ssyncset.done $0x0  }
0x1b: {  	s31 =	simm.s32 $0x5400;
	[sflag:s16] =	ssyncadd.s32 $0xFFFFE400  }
0x1c: {  	[tilespmem:s31], [sflag:$0x3] =	stream.linear.gather [hbm4b:s12+s8], $0x1C00, $0x38;
	[tilespmem:$0xAF00] =	vst v63  }
0x1d: {  	_ =	swait.ge [sflag:s16], $0x1C00  }
0x1e: {  	[sflag:s16] =	ssyncset.done $0x0  }
0x1f: {  	[sflag:s16] =	ssyncadd.s32 $0xFFFFE400  }
0x20: {  	[tilespmem:s20], [sflag:$0x3] =	stream.linear.gather [hbm4b:s13+s8], $0x1C00, $0x38;
	[tilespmem:$0xAF00] =	vst v63  }
0x21: {  	v6 =	vimm.f32 $0.0e+00;
	v8 =	vimm.f32 $0.0e+00;
	_ =	swait.ge [sflag:s16], $0x1C00  }
0x22: {  	v3 =	vimm.f32 $0.0e+00;
	v9 =	vimm.f32 $0.0e+00;
	v0 =	vimm.f32 $0.0e+00;
	[sflag:s16] =	ssyncset.done $0x0  }
0x23: {  	v2 =	vimm.f32 $0.0e+00;
	v7 =	vimm.f32 $0.0e+00;
	v1 =	vimm.f32 $0.0e+00;
	s29 =	simm.s32 $0x0;
	[sflag:s16] =	ssyncadd.s32 $0xFFFFE400  }
.LBB2_2:
0x24: {  	s30 =	sshll.u32 s29, $0x7;
	s1 =	smul.u32 $0x38, s29  }
0x25: {  	[tilespmem:s22], [sflag:$0x2] =	stream.indirect.gather [hbm4b:s0+s21], $0x80, s30, s21, $0xb8;
	[tilespmem:$0xAF00] =	vst v63  }
0x26: {  	s1 =	sadd.s32 s14, s1  }
0x27: {  	s1 =	sshll.u32 s1, $0x1  }
0x28: {  	s17 =	simm.s32 $0x0;
	s5 =	sadd.s32 s2, s1  }
0x29: {  	[tilespmem:s23], [sflag:$0x3] =	stream.linear.gather [hbm4b:s5+s17], $0x380, $0x38;
	[tilespmem:$0xAF00] =	vst v63  }
0x2a: {  	_ =	swait.ge [sflag:s16], $0x380  }
0x2b: {  	[sflag:s16] =	ssyncset.done $0x0  }
0x2c: {  	s1 =	sadd.s32 s3, s1;
	[sflag:s16] =	ssyncadd.s32 $0xFFFFFC80  }
0x2d: {  	[tilespmem:s24], [sflag:$0x3] =	stream.linear.gather [hbm4b:s1+s17], $0x380, $0x38;
	[tilespmem:$0xAF00] =	vst v63  }
0x2e: {  	_ =	swait.ge [sflag:s16], $0x380  }
0x2f: {  	[sflag:s16] =	ssyncset.done $0x0  }
0x30: {  	[sflag:s16] =	ssyncadd.s32 $0xFFFFFC80  }
0x31: {  	_ =	swait.ge [sflag:s25], $0x1C00  }
0x32: {  	[sflag:s25] =	ssyncset.done $0x0  }
0x33: {  	s19 =	simm.s32 $0x0;
	[sflag:s25] =	ssyncadd.s32 $0xFFFFE400  }
0x34: {  	v5 =	vld [tilespmem:s19+$0xA800]  }
0x35: {  	s5 =	simm.s32 $0x8C40;
	v4 =	vld [tilespmem:s19+$0xAB80]  }
0x36: {  	v14 =	vld [tilespmem:s5+$0xFFFFFFE0]  }
0x37: {  	v11 =	vld [tilespmem:s5+$0xFFFFFFD0]  }
0x38: {  	v16 =	vld [tilespmem:s5+$0xFFFFFFF0]  }
0x39: {  	v17 =	vld [tilespmem:s5+$0x10]  }
0x3a: {  	v12 =	vld [tilespmem:s5+$0x30];
	v13 =	vmul.f32 v5, v7;
	v9 =	vmul.f32 v5, v9  }
0x3b: {  	v2 =	vmul.f32 v5, v2;
	v18 =	vmul.f32 v14, v4;
	v14 =	vld [tilespmem:s5+$0x0]  }
0x3c: {  	v7 =	vld [tilespmem:s5+$0xFFFFFFC0];
	v10 =	vmul.f32 v5, v6;
	v15 =	vmul.f32 v11, v4  }
0x3d: {  	s18 =	simm.s32 $0x8CC0;
	v11 =	vmul.f32 v16, v4;
	v6 =	vmul.f32 v5, v8  }
0x3e: {  	s31 =	simm.s32 $0x8CC0;
	s17 =	simm.s32 $0x80;
	s1 =	simm.s32 $0x10;
	v8 =	vmul.f32 v5, v3;
	v16 =	vmul.f32 v17, v4;
	v3 =	vld [tilespmem:s5+$0x20];
	v2 =	vadd.f32 v18, v2  }
.LBB2_3:
0x3f: {  	p0 =	sne.s32 s17, $0xDC0  }
0x40: {  	s18 =	sadd.s32 $0x80, s18;
	v13 =	vadd.f32 v15, v13;
	v14 =	vmul.f32 v14, v4;
	v12 =	vmul.f32 v12, v4;
	s19 =	smov.u32 s17;
	s17 =	sadd.s32 $0x40, s17  }
0x41: {  	v1 =	vmul.f32 v5, v1;
	v7 =	vmul.f32 v7, v4;
	[tilespmem:s5+$0xFFFFFFE0] =	vst v2;
	v8 =	vadd.f32 v16, v8  }
0x42: {  	v0 =	vmul.f32 v5, v0;
	[tilespmem:s5+$0xFFFFFFD0] =	vst v13;
	v9 =	vadd.f32 v14, v9;
	v10 =	vadd.f32 v12, v10  }
0x43: {  	v1 =	vadd.f32 v7, v1;
	[tilespmem:s5+$0x10] =	vst v8  }
0x44: {  	v0 =	vadd.f32 v11, v0;
	v3 =	vmul.f32 v3, v4;
	[tilespmem:s5+$0x30] =	vst v10  }
0x45: {  	[tilespmem:s5+$0xFFFFFFC0] =	vst v1  }
0x46: {  	v11 =	vld [tilespmem:s31+$0xFFFFFFF0];
	[tilespmem:s5+$0xFFFFFFF0] =	vst v0;
	v3 =	vadd.f32 v3, v6  }
0x47: {  	v7 =	vld [tilespmem:s31+$0xFFFFFFC0];
	[tilespmem:s5+$0x0] =	vst v9  }
0x48: {  	v6 =	vld [tilespmem:s31+$0xFFFFFFD0];
	[tilespmem:s5+$0x20] =	vst v3;
	s5 =	smov.u32 s31;
	s31 =	smov.u32 s18  }
0x49: {  	s19 =	sshra.s32 s19, $0x2;
	v5 =	vld [tilespmem:s1+$0xA800]  }
0x4a: {  	v4 =	vld [tilespmem:s1+$0xAB80];
	s1 =	smov.u32 s19  }
0x4b: {  	v16 =	vld [tilespmem:s5+$0xFFFFFFE0]  }
0x4c: {  	v12 =	vld [tilespmem:s5+$0x30]  }
0x4d: {  	v17 =	vld [tilespmem:s5+$0x10]  }
.Ltmp0:
0x4e: {  	v13 =	vmul.f32 v5, v13;
	v14 =	vld [tilespmem:s5+$0x0];
	v9 =	vmul.f32 v5, v9;
	(pc) =	sbr.rel @p0 .LBB2_3-.Ltmp0, $4  }
0x4f: {  	v2 =	vmul.f32 v5, v2;
	v10 =	vmul.f32 v5, v10  }
0x50: {  	v15 =	vmul.f32 v6, v4;
	v16 =	vmul.f32 v16, v4  }
0x51: {  	v11 =	vmul.f32 v11, v4;
	v6 =	vmul.f32 v5, v3  }
0x52: {  	v8 =	vmul.f32 v5, v8;
	v2 =	vadd.f32 v16, v2;
	v16 =	vmul.f32 v17, v4;
	v3 =	vld [tilespmem:s5+$0x20]  }
0x53: {  	v13 =	vadd.f32 v15, v13;
	v1 =	vmul.f32 v5, v1;
	v7 =	vmul.f32 v7, v4  }
0x54: {  	v12 =	vmul.f32 v12, v4;
	[tilespmem:s5+$0xFFFFFFE0] =	vst v2;
	v8 =	vadd.f32 v16, v8  }
0x55: {  	v0 =	vmul.f32 v5, v0;
	[tilespmem:s5+$0xFFFFFFD0] =	vst v13;
	v1 =	vadd.f32 v7, v1  }
0x56: {  	v5 =	vmul.f32 v14, v4;
	v7 =	vadd.f32 v12, v10;
	[tilespmem:s5+$0x10] =	vst v8  }
0x57: {  	v0 =	vadd.f32 v11, v0;
	v3 =	vmul.f32 v3, v4;
	[tilespmem:s5+$0xFFFFFFC0] =	vst v1  }
0x58: {  	v4 =	vadd.f32 v5, v9;
	[tilespmem:s5+$0x30] =	vst v7  }
0x59: {  	v5 =	vld [tilespmem:s31+$0xFFFFFFF0];
	[tilespmem:s5+$0xFFFFFFF0] =	vst v0;
	v9 =	vadd.f32 v3, v6  }
0x5a: {  	[tilespmem:s5+$0x0] =	vst v4  }
0x5b: {  	v3 =	vld [tilespmem:s31+$0xFFFFFFE0];
	[tilespmem:s5+$0x20] =	vst v9  }
0x5c: {  	v10 =	vld [tilespmem:s1+$0xA800]  }
0x5d: {  	v11 =	vld [tilespmem:s1+$0xAB80]  }
0x5e: {  	v6 =	vld [tilespmem:s31+$0xFFFFFFD0]  }
0x5f: {  	v60 =	vld [tilespmem:s31+$0xFFFFFFC0];
	_ =	sdelay $0x1  }
0x60: {  	v58 =	vld [tilespmem:s31+$0x10];
	v2 =	vmul.f32 v10, v2  }
0x61: {  	v59 =	vld [tilespmem:s31+$0x30];
	v3 =	vmul.f32 v3, v11;
	v13 =	vmul.f32 v10, v13  }
0x62: {  	v61 =	vld [tilespmem:s31+$0x0];
	v6 =	vmul.f32 v6, v11;
	v17 =	vmul.f32 v10, v7  }
0x63: {  	v62 =	vld [tilespmem:s31+$0x20];
	v1 =	vmul.f32 v10, v1;
	v63 =	vmul.f32 v60, v11;
	v2 =	vadd.f32 v3, v2  }
0x64: {  	v5 =	vmul.f32 v5, v11;
	v0 =	vmul.f32 v10, v0;
	v7 =	vadd.f32 v6, v13  }
0x65: {  	v3 =	vmul.f32 v10, v8;
	v8 =	vmul.f32 v58, v11;
	v1 =	vadd.f32 v63, v1;
	[tilespmem:s31+$0xFFFFFFE0] =	vst v2  }
0x66: {  	v6 =	vmul.f32 v59, v11;
	v0 =	vadd.f32 v5, v0;
	[tilespmem:s31+$0xFFFFFFD0] =	vst v7  }
0x67: {  	v4 =	vmul.f32 v10, v4;
	v3 =	vadd.f32 v8, v3;
	v8 =	vmul.f32 v61, v11;
	[tilespmem:s31+$0xFFFFFFC0] =	vst v1  }
0x68: {  	v10 =	vmul.f32 v10, v9;
	v5 =	vmul.f32 v62, v11;
	v6 =	vadd.f32 v6, v17;
	[tilespmem:s31+$0xFFFFFFF0] =	vst v0  }
0x69: {  	[tilespmem:s31+$0x10] =	vst v3;
	v9 =	vadd.f32 v8, v4  }
0x6a: {  	[tilespmem:s31+$0x30] =	vst v6;
	v8 =	vadd.f32 v5, v10  }
0x6b: {  	[tilespmem:s31+$0x0] =	vst v9  }
0x6c: {  	s18 =	sadd.s32 $0x3800, s30;
	[tilespmem:s31+$0x20] =	vst v8  }
0x6d: {  	[hbm4b:s4+s21] =	stream.indirect.scatter [tilespmem:s22], [sflag:$0x1], $0x80, s18, s21, $0xb8;
	[tilespmem:$0xAF00] =	vst v63  }
0x6e: {  	s19 =	sadd.s32 $0x5400, s30;
	s17 =	sadd.s32 $0x1C00, s30  }
0x6f: {  	[hbm4b:s6+s21] =	stream.indirect.scatter [tilespmem:s19], [sflag:$0x1], $0x1, s17, s21, $0xb8;
	[tilespmem:$0xAF00] =	vst v63  }
0x70: {  	s31 =	sadd.s32 $0x7000, s30  }
0x71: {  	[hbm4b:s7+s21] =	stream.indirect.scatter [tilespmem:s31], [sflag:$0x1], $0x1, s18, s21, $0xb8;
	[tilespmem:$0xAF00] =	vst v63  }
0x72: {  	_ =	swait.ge [sflag:s26], $0x1C00  }
0x73: {  	[sflag:s26] =	ssyncset.done $0x0  }
0x74: {  	s29 =	sadd.s32 $0x1, s29;
	[sflag:s26] =	ssyncadd.s32 $0xFFFFE400  }
0x75: {  	p0 =	sne.s32 s29, $0x38;
	_ =	swait.ge [sflag:s26], $0x38  }
.Ltmp1:
0x76: {  	[sflag:s26] =	ssyncset.done $0x0;
	(pc) =	sbr.rel @p0 .LBB2_2-.Ltmp1, $4  }
0x77: {  	[sflag:s26] =	ssyncadd.s32 $0xFFFFFFC8  }
0x78: {  	_ =	swait.ge [sflag:s26], $0x38  }
0x79: {  	[sflag:s26] =	ssyncset.done $0x0  }
0x7a: {  	[sflag:s26] =	ssyncadd.s32 $0xFFFFFFC8  }
0x7b: {  	s28 =	sadd.s32 $0x1, s28  }
0x7c: {  	p0 =	sne.s32 s28, s15  }
.Ltmp2:
0x7d: {  	_ = 	snop;
	(pc) =	sbr.rel @p0 .LBB2_1-.Ltmp2, $1  }
0x7e: {  	_ =	sdelay $0x3  }
0x7f: {  	_ =	sfence.sel $0x180000  }
0x80: {  	[bflag:$0x0] =	sbarrier.arrive $0xFFFF  }
0x81: {  	_ =	strace $0x90000047  }
0x82: {  	s0 =	stileid.u32;
	[bflag:$0x2] =	sbarrier.arrive $0xFFFF  }
0x83: {  	p0 =	sne.s32 s0, $0x0;
	s0 =	rddreg [dreg:$0x7]  }
0x84: {  	s0 =	sadd.s32 @!p0 $0x100000, s0  }
0x85: {  	[sflag:s0] =	ssyncadd.tile.s32 @!p0 $0x1;
	_ =	shalt  }
.Lfunc_end2:
_tile_overlayer_lowered:
.L_overlay_start_2:
0x86: {  	(tag) =	ssettag $0x2  }
0x87: {  	s0 =	rddreg [dreg:$0x0];
	s2 =	stileid.u32  }
0x88: {  	s1 =	rddreg [dreg:$0x1];
	p0 =	sne.s32 s2, $0x0  }
0x89: {  	s3 =	rddreg [dreg:$0x2];
	[bflag:$0x3] =	sbarrier.arrive $0xFFFF;
	s2 =	simm.s32 @!p0 $0x1C03  }
0x8a: {  	[timem:s3], [sflag:s2] =	dma.local @!p0 [hbm:s0], s1  }
0x8b: {  	s0 =	simm.s32 @!p0 $0x3  }
0x8c: {  	_ =	swait.ge @!p0 [sflag:s0], s1  }
0x8d: {  	s1 =	ssub.s32 @!p0 $0x0, s1;
	[sflag:s0] =	ssyncset.done @!p0 $0x0  }
0x8e: {  	[sflag:s0] =	ssyncadd.s32 @!p0 s1  }
0x8f: {  	[bflag:$0x3] =	sbarrier.arrive $0xFFFF  }
0x90: {  	_ =	shalt  }

</sc_bundles>
